<compile_context>
chip_gen: v7x
topology: tpu7x:2x2x1
jax: 0.10.2.dev20260603
libtpu: 0.0.44.dev20260713+nightly
codegen_flags: <defaults>
</compile_context>

<pallas_src>
import functools

import jax
import jax.numpy as jnp
from jax import lax
from jax.experimental import pallas as pl
from jax.experimental.pallas import tpu as pltpu
from jax.experimental.pallas import tpu_sc as plsc

NUM_BINS = 8192
MINV = -50.0
MAXV = 50.0
INV_WIDTH = NUM_BINS / (MAXV - MINV)
OFFSET1 = -MINV * INV_WIDTH + 1.0

N = 16777216
NC, NS, L = 2, 16, 16
NW = NC * NS
PER_W = N // NW
CHUNK = 16384
NCHUNK = PER_W // CHUNK
HPAD = NUM_BINS + 16


def _sc_hist_body(x_hbm, out_hbm, buf0, buf1, histp_v, hist_v, sem0, sem1):
    wid = lax.axis_index("s") * NC + lax.axis_index("c")
    base = wid * PER_W
    bufs = (buf0, buf1)
    sems = (sem0, sem1)
    lane = lax.iota(jnp.int32, L)
    ones = jnp.ones((L,), jnp.float32)
    zeros = jnp.zeros((L,), jnp.float32)

    @plsc.parallel_loop(0, HPAD // L, unroll=8)
    def zbody(i):
        histp_v[pl.ds(i * L, L)] = zeros

    pltpu.async_copy(x_hbm.at[pl.ds(base, CHUNK)], buf0, sem0)
    pltpu.async_copy(x_hbm.at[pl.ds(base + CHUNK, CHUNK)], buf1, sem1)

    def process(buf):
        @plsc.parallel_loop(0, CHUNK // L, unroll=8)
        def vbody(i):
            v = buf[pl.ds(i * L, L)]
            t = v * INV_WIDTH + OFFSET1
            ti = t.astype(jnp.int32)
            addr = jnp.clip(jnp.where(v > MAXV, 9000, ti), 0, NUM_BINS + 2)
            plsc.addupdate_scatter(histp_v, [addr], ones)

    def pair_body(p, _):
        for b in range(2):
            k = p * 2 + b
            pltpu.make_async_copy(
                x_hbm.at[pl.ds(base + k * CHUNK, CHUNK)], bufs[b], sems[b]
            ).wait()
            process(bufs[b])
            @pl.when(k + 2 < NCHUNK)
            def _():
                pltpu.async_copy(
                    x_hbm.at[pl.ds(base + (k + 2) * CHUNK, CHUNK)],
                    bufs[b],
                    sems[b],
                )
        return 0

    lax.fori_loop(0, NCHUNK // 2, pair_body, 0)

    @plsc.parallel_loop(0, NUM_BINS // L, unroll=4)
    def sbody(j):
        hist_v[pl.ds(j * L, L)] = plsc.load_gather(histp_v, [j * L + 1 + lane])

    last = hist_v[pl.ds(NUM_BINS - L, L)]
    extra = plsc.load_gather(histp_v, [jnp.full((L,), NUM_BINS + 1, jnp.int32)])
    hist_v[pl.ds(NUM_BINS - L, L)] = last + jnp.where(lane == L - 1, extra, 0.0)

    pltpu.sync_copy(hist_v, out_hbm.at[wid])


_sc_hist = functools.partial(
    pl.kernel,
    out_type=jax.ShapeDtypeStruct((NW, NUM_BINS), jnp.float32),
    mesh=plsc.VectorSubcoreMesh(
        core_axis_name="c", subcore_axis_name="s", num_cores=NC, num_subcores=NS
    ),
    scratch_types=[
        pltpu.VMEM((CHUNK,), jnp.float32),
        pltpu.VMEM((CHUNK,), jnp.float32),
        pltpu.VMEM((HPAD,), jnp.float32),
        pltpu.VMEM((NUM_BINS,), jnp.float32),
        pltpu.SemaphoreType.DMA,
        pltpu.SemaphoreType.DMA,
    ],
    compiler_params=pltpu.CompilerParams(needs_layout_passes=False),
)(_sc_hist_body)


def _merge_body(parts_ref, bins_ref, o_ref):
    o_ref[...] = jnp.sum(parts_ref[...], axis=0) + bins_ref[...]


def _merge(parts, hist_bins):
    out = pl.pallas_call(
        _merge_body,
        out_shape=jax.ShapeDtypeStruct((64, 128), jnp.float32),
    )(parts.reshape(NW, 64, 128), hist_bins.reshape(64, 128))
    return out.reshape(NUM_BINS)


def kernel(x, hist_bins):
    parts = _sc_hist(x)
    new_hist = _merge(parts, hist_bins)
    return (x, new_hist)

# --- scband reference (transcript-rebuilt; emitter-appended) ---
"""Pipeline reference for scband-linear-quantize-66460323938717 (READ-ONLY COPY).

The authoritative reference and input builder live on the scoring server;
editing this copy changes nothing except your own understanding.
"""

import jax, jax.numpy as jnp
import numpy as np

NUM_BINS = 8192
MINV = -50.0
MAXV = 50.0


def setup_inputs(seed: int = 0) -> dict:
    key = jax.random.key(seed)
    x = jax.random.normal(key, (16777216,), dtype=jnp.float32)
    hist_bins = jnp.zeros((NUM_BINS,), dtype=jnp.float32)
    return {"x": x, "hist_bins": hist_bins}


def _histc(x, bins, minv, maxv):
    # Faithful port of torch.histc: bins uniform bins over [minv, maxv],
    # out-of-range values ignored, x == maxv lands in the last bin.
    width = (maxv - minv) / bins
    idx = jnp.floor((x - minv) / width).astype(jnp.int32)
    idx = jnp.clip(idx, 0, bins - 1)
    in_range = ((x >= minv) & (x <= maxv)).astype(jnp.float32)
    hist = jnp.zeros((bins,), dtype=jnp.float32).at[idx].add(in_range)
    return hist


def reference(x, hist_bins):
    # LinearQuantize.forward in tracking mode:
    #   self.hist_bins += torch.histc(x, self.num_bins, self.minv, self.maxv)
    #   return x
    # We return both the passthrough output and the updated histogram buffer
    # so the histogram computation is part of the traced graph.
    new_hist = hist_bins + _histc(x, NUM_BINS, MINV, MAXV)
    return (x, new_hist)

if __name__ == "__main__":
    import jax
    _d = setup_inputs()
    print(jax.jit(kernel)(*tuple(_d.values())))

</pallas_src>

<mosaic_0001>
#map = affine_map<(d0, d1) -> (0)>
#map1 = affine_map<(d0, d1) -> (0, 0)>
module attributes {stable_mosaic.version = 14 : i64} {
  func.func @_sc_hist_body(%arg0: i32, %arg1: i32, %arg2: memref<16777216xf32, #tpu.memory_space<hbm>>, %arg3: memref<32x8192xf32, #tpu.memory_space<hbm>>, %arg4: memref<16384xf32, #tpu.memory_space<vmem>>, %arg5: memref<16384xf32, #tpu.memory_space<vmem>>, %arg6: memref<8208xf32, #tpu.memory_space<vmem>>, %arg7: memref<8192xf32, #tpu.memory_space<vmem>>, %arg8: memref<!tpu.dma_semaphore, #tpu.memory_space<semaphore_mem>>, %arg9: memref<!tpu.dma_semaphore, #tpu.memory_space<semaphore_mem>>) attributes {dimension_semantics = [#tpu.dimension_semantics<core_parallel>, #tpu.dimension_semantics<subcore_parallel>], iteration_bounds = array<i64: 2, 16>, scalar_prefetch = 0 : i64, scratch_operands = 6 : i64, tpu.core_type = #tpu.core_type<sc_vector_subcore>, window_params = [{transform_indices = #map}, {transform_indices = #map1}]} {
    %mul3A = arith.constant 2 : i32
    %mul3A_0 = arith.muli %arg1, %mul3A : i32
    %add3A = arith.addi %mul3A_0, %arg0 : i32
    %mul3A_1 = arith.constant 524288 : i32
    %mul3A_2 = arith.muli %add3A, %mul3A_1 : i32
    %iota3A = tpu.iota {dimensions = array<i32: 0>} : vector<16xi32>
    %broadcast_in_dim3A = arith.constant 1.000000e+00 : f32
    %broadcast_in_dim3A_3 = vector.broadcast %broadcast_in_dim3A : f32 to vector<16xf32>
    %broadcast_in_dim3A_4 = arith.constant 0.000000e+00 : f32
    %broadcast_in_dim3A_5 = vector.broadcast %broadcast_in_dim3A_4 : f32 to vector<16xf32>
    %parallel_loop3A = arith.constant 0 : i32
    %parallel_loop3A_6 = arith.constant 513 : i32
    %parallel_loop3A_7 = arith.constant 1 : i32
    scf.for %parallel_loop3A_30 = %parallel_loop3A to %parallel_loop3A_6 step %parallel_loop3A_7  : i32 {
      %parallel_loop3A_31 = arith.constant 16 : i32
      %parallel_loop3A_32 = arith.muli %parallel_loop3A_30, %parallel_loop3A_31 : i32
      %parallel_loop3A_33 = arith.index_cast %parallel_loop3A_32 : i32 to index
      %parallel_loop3A_34 = tpu.vector_load %arg6[%parallel_loop3A_33] {strides = array<i32>} : memref<8208xf32, #tpu.memory_space<vmem>>, vector<16xf32>,
      tpu.vector_store %arg6[%parallel_loop3A_33], %broadcast_in_dim3A_5 {strides = array<i32>} : memref<8208xf32, #tpu.memory_space<vmem>>, vector<16xf32>,
    } {sc.loop_unroll_factor = 8 : i64, sc.parallel_access}
    %dma_start3A = tpu.memref_slice %arg2[%mul3A_2] : memref<16777216xf32, #tpu.memory_space<hbm>> -> memref<16384xf32, #tpu.memory_space<hbm>>
    %dma_start3A_8 = tpu.memref_slice %arg2[%mul3A_2] : memref<16777216xf32, #tpu.memory_space<hbm>> -> memref<16384xf32, #tpu.memory_space<hbm>>
    tpu.enqueue_dma source(%dma_start3A_8 : memref<16384xf32, #tpu.memory_space<hbm>>) target(%arg4 : memref<16384xf32, #tpu.memory_space<vmem>>) target_semaphore(%arg8 : memref<!tpu.dma_semaphore, #tpu.memory_space<semaphore_mem>>)
    %add3A_9 = arith.constant 16384 : i32
    %add3A_10 = arith.addi %mul3A_2, %add3A_9 : i32
    %dma_start3A_11 = tpu.memref_slice %arg2[%add3A_10] : memref<16777216xf32, #tpu.memory_space<hbm>> -> memref<16384xf32, #tpu.memory_space<hbm>>
    %dma_start3A_12 = tpu.memref_slice %arg2[%add3A_10] : memref<16777216xf32, #tpu.memory_space<hbm>> -> memref<16384xf32, #tpu.memory_space<hbm>>
    tpu.enqueue_dma source(%dma_start3A_12 : memref<16384xf32, #tpu.memory_space<hbm>>) target(%arg5 : memref<16384xf32, #tpu.memory_space<vmem>>) target_semaphore(%arg9 : memref<!tpu.dma_semaphore, #tpu.memory_space<semaphore_mem>>)
    %scan3A = arith.constant 0 : i32
    %scan3A_13 = arith.constant 0 : i32
    %scan3A_14 = arith.constant 16 : i32
    %scan3A_15 = arith.addi %scan3A_13, %scan3A_14 : i32
    %scan3A_16 = arith.constant 1 : i32
    %scan3A_17 = scf.for %scan3A_30 = %scan3A_13 to %scan3A_15 step %scan3A_16 iter_args(%scan3A_31 = %scan3A) -> (i32)  : i32 {
      %mul3A_32 = arith.constant 2 : i32
      %mul3A_33 = arith.muli %scan3A_30, %mul3A_32 : i32
      %add3A_34 = arith.constant 0 : i32
      %add3A_35 = arith.addi %mul3A_33, %add3A_34 : i32
      %mul3A_36 = arith.constant 16384 : i32
      %mul3A_37 = arith.muli %add3A_35, %mul3A_36 : i32
      %add3A_38 = arith.addi %mul3A_2, %mul3A_37 : i32
      %dma_wait3A = tpu.memref_slice %arg2[%add3A_38] : memref<16777216xf32, #tpu.memory_space<hbm>> -> memref<16384xf32, #tpu.memory_space<hbm>>
      %dma_wait3A_39 = tpu.memref_slice %arg2[%add3A_38] : memref<16777216xf32, #tpu.memory_space<hbm>> -> memref<16384xf32, #tpu.memory_space<hbm>>
      tpu.wait_dma2 semaphore(%arg8 : memref<!tpu.dma_semaphore, #tpu.memory_space<semaphore_mem>>) src(%dma_wait3A_39 : memref<16384xf32, #tpu.memory_space<hbm>>) dst(%arg4 : memref<16384xf32, #tpu.memory_space<vmem>>)
      %parallel_loop3A_40 = arith.constant 0 : i32
      %parallel_loop3A_41 = arith.constant 1024 : i32
      %parallel_loop3A_42 = arith.constant 1 : i32
      scf.for %parallel_loop3A_67 = %parallel_loop3A_40 to %parallel_loop3A_41 step %parallel_loop3A_42  : i32 {
        %parallel_loop3A_68 = arith.constant 16 : i32
        %parallel_loop3A_69 = arith.muli %parallel_loop3A_67, %parallel_loop3A_68 : i32
        %parallel_loop3A_70 = arith.index_cast %parallel_loop3A_69 : i32 to index
        %parallel_loop3A_71 = tpu.vector_load %arg4[%parallel_loop3A_70] {strides = array<i32>} : memref<16384xf32, #tpu.memory_space<vmem>>, vector<16xf32>,
        %parallel_loop3A_72 = arith.constant 81.9199981 : f32
        %parallel_loop3A_73 = vector.broadcast %parallel_loop3A_72 : f32 to vector<16xf32>
        %parallel_loop3A_74 = arith.mulf %parallel_loop3A_71, %parallel_loop3A_73 : vector<16xf32>
        %parallel_loop3A_75 = arith.constant 4.097000e+03 : f32
        %parallel_loop3A_76 = vector.broadcast %parallel_loop3A_75 : f32 to vector<16xf32>
        %parallel_loop3A_77 = arith.addf %parallel_loop3A_74, %parallel_loop3A_76 : vector<16xf32>
        %parallel_loop3A_78 = arith.fptosi %parallel_loop3A_77 : vector<16xf32> to vector<16xi32>
        %parallel_loop3A_79 = arith.constant 5.000000e+01 : f32
        %parallel_loop3A_80 = vector.broadcast %parallel_loop3A_79 : f32 to vector<16xf32>
        %parallel_loop3A_81 = arith.cmpf ogt, %parallel_loop3A_71, %parallel_loop3A_80 : vector<16xf32>
        %parallel_loop3A_82 = arith.constant 9000 : i32
        %parallel_loop3A_83 = vector.broadcast %parallel_loop3A_82 : i32 to vector<16xi32>
        %parallel_loop3A_84 = arith.select %parallel_loop3A_81, %parallel_loop3A_83, %parallel_loop3A_78 : vector<16xi1>, vector<16xi32>
        %parallel_loop3A_85 = arith.constant 0 : i32
        %parallel_loop3A_86 = arith.constant 8194 : i32
        %parallel_loop3A_87 = vector.broadcast %parallel_loop3A_85 : i32 to vector<16xi32>
        %parallel_loop3A_88 = arith.maxsi %parallel_loop3A_87, %parallel_loop3A_84 : vector<16xi32>
        %parallel_loop3A_89 = vector.broadcast %parallel_loop3A_86 : i32 to vector<16xi32>
        %parallel_loop3A_90 = arith.minsi %parallel_loop3A_89, %parallel_loop3A_88 : vector<16xi32>
        tpu.vector_store_idx %arg6[%parallel_loop3A_90], %broadcast_in_dim3A_3 {add = true} : memref<8208xf32, #tpu.memory_space<vmem>>[vector<16xi32>], vector<16xf32>,
      } {sc.loop_unroll_factor = 8 : i64, sc.parallel_access}
      %add3A_43 = arith.constant 2 : i32
      %add3A_44 = arith.addi %add3A_35, %add3A_43 : i32
      %lt3A = arith.constant 32 : i32
      %lt3A_45 = arith.cmpi slt, %add3A_44, %lt3A : i32
      %convert_element_type3A = arith.extui %lt3A_45 : i1 to i32
      %cond3A = arith.constant 0 : i32
      %cond3A_46 = arith.cmpi ne, %convert_element_type3A, %cond3A : i32
      scf.if %cond3A_46 {
        %add3A_67 = arith.constant 2 : i32
        %add3A_68 = arith.addi %add3A_35, %add3A_67 : i32
        %mul3A_69 = arith.constant 16384 : i32
        %mul3A_70 = arith.muli %add3A_68, %mul3A_69 : i32
        %add3A_71 = arith.addi %mul3A_2, %mul3A_70 : i32
        %dma_start3A_72 = tpu.memref_slice %arg2[%add3A_71] : memref<16777216xf32, #tpu.memory_space<hbm>> -> memref<16384xf32, #tpu.memory_space<hbm>>
        %dma_start3A_73 = tpu.memref_slice %arg2[%add3A_71] : memref<16777216xf32, #tpu.memory_space<hbm>> -> memref<16384xf32, #tpu.memory_space<hbm>>
        tpu.enqueue_dma source(%dma_start3A_73 : memref<16384xf32, #tpu.memory_space<hbm>>) target(%arg4 : memref<16384xf32, #tpu.memory_space<vmem>>) target_semaphore(%arg8 : memref<!tpu.dma_semaphore, #tpu.memory_space<semaphore_mem>>)
      } else {
      }
      %mul3A_47 = arith.constant 2 : i32
      %mul3A_48 = arith.muli %scan3A_30, %mul3A_47 : i32
      %add3A_49 = arith.constant 1 : i32
      %add3A_50 = arith.addi %mul3A_48, %add3A_49 : i32
      %mul3A_51 = arith.constant 16384 : i32
      %mul3A_52 = arith.muli %add3A_50, %mul3A_51 : i32
      %add3A_53 = arith.addi %mul3A_2, %mul3A_52 : i32
      %dma_wait3A_54 = tpu.memref_slice %arg2[%add3A_53] : memref<16777216xf32, #tpu.memory_space<hbm>> -> memref<16384xf32, #tpu.memory_space<hbm>>
      %dma_wait3A_55 = tpu.memref_slice %arg2[%add3A_53] : memref<16777216xf32, #tpu.memory_space<hbm>> -> memref<16384xf32, #tpu.memory_space<hbm>>
      tpu.wait_dma2 semaphore(%arg9 : memref<!tpu.dma_semaphore, #tpu.memory_space<semaphore_mem>>) src(%dma_wait3A_55 : memref<16384xf32, #tpu.memory_space<hbm>>) dst(%arg5 : memref<16384xf32, #tpu.memory_space<vmem>>)
      %parallel_loop3A_56 = arith.constant 0 : i32
      %parallel_loop3A_57 = arith.constant 1024 : i32
      %parallel_loop3A_58 = arith.constant 1 : i32
      scf.for %parallel_loop3A_67 = %parallel_loop3A_56 to %parallel_loop3A_57 step %parallel_loop3A_58  : i32 {
        %parallel_loop3A_68 = arith.constant 16 : i32
        %parallel_loop3A_69 = arith.muli %parallel_loop3A_67, %parallel_loop3A_68 : i32
        %parallel_loop3A_70 = arith.index_cast %parallel_loop3A_69 : i32 to index
        %parallel_loop3A_71 = tpu.vector_load %arg5[%parallel_loop3A_70] {strides = array<i32>} : memref<16384xf32, #tpu.memory_space<vmem>>, vector<16xf32>,
        %parallel_loop3A_72 = arith.constant 81.9199981 : f32
        %parallel_loop3A_73 = vector.broadcast %parallel_loop3A_72 : f32 to vector<16xf32>
        %parallel_loop3A_74 = arith.mulf %parallel_loop3A_71, %parallel_loop3A_73 : vector<16xf32>
        %parallel_loop3A_75 = arith.constant 4.097000e+03 : f32
        %parallel_loop3A_76 = vector.broadcast %parallel_loop3A_75 : f32 to vector<16xf32>
        %parallel_loop3A_77 = arith.addf %parallel_loop3A_74, %parallel_loop3A_76 : vector<16xf32>
        %parallel_loop3A_78 = arith.fptosi %parallel_loop3A_77 : vector<16xf32> to vector<16xi32>
        %parallel_loop3A_79 = arith.constant 5.000000e+01 : f32
        %parallel_loop3A_80 = vector.broadcast %parallel_loop3A_79 : f32 to vector<16xf32>
        %parallel_loop3A_81 = arith.cmpf ogt, %parallel_loop3A_71, %parallel_loop3A_80 : vector<16xf32>
        %parallel_loop3A_82 = arith.constant 9000 : i32
        %parallel_loop3A_83 = vector.broadcast %parallel_loop3A_82 : i32 to vector<16xi32>
        %parallel_loop3A_84 = arith.select %parallel_loop3A_81, %parallel_loop3A_83, %parallel_loop3A_78 : vector<16xi1>, vector<16xi32>
        %parallel_loop3A_85 = arith.constant 0 : i32
        %parallel_loop3A_86 = arith.constant 8194 : i32
        %parallel_loop3A_87 = vector.broadcast %parallel_loop3A_85 : i32 to vector<16xi32>
        %parallel_loop3A_88 = arith.maxsi %parallel_loop3A_87, %parallel_loop3A_84 : vector<16xi32>
        %parallel_loop3A_89 = vector.broadcast %parallel_loop3A_86 : i32 to vector<16xi32>
        %parallel_loop3A_90 = arith.minsi %parallel_loop3A_89, %parallel_loop3A_88 : vector<16xi32>
        tpu.vector_store_idx %arg6[%parallel_loop3A_90], %broadcast_in_dim3A_3 {add = true} : memref<8208xf32, #tpu.memory_space<vmem>>[vector<16xi32>], vector<16xf32>,
      } {sc.loop_unroll_factor = 8 : i64, sc.parallel_access}
      %add3A_59 = arith.constant 2 : i32
      %add3A_60 = arith.addi %add3A_50, %add3A_59 : i32
      %lt3A_61 = arith.constant 32 : i32
      %lt3A_62 = arith.cmpi slt, %add3A_60, %lt3A_61 : i32
      %convert_element_type3A_63 = arith.extui %lt3A_62 : i1 to i32
      %cond3A_64 = arith.constant 0 : i32
      %cond3A_65 = arith.cmpi ne, %convert_element_type3A_63, %cond3A_64 : i32
      scf.if %cond3A_65 {
        %add3A_67 = arith.constant 2 : i32
        %add3A_68 = arith.addi %add3A_50, %add3A_67 : i32
        %mul3A_69 = arith.constant 16384 : i32
        %mul3A_70 = arith.muli %add3A_68, %mul3A_69 : i32
        %add3A_71 = arith.addi %mul3A_2, %mul3A_70 : i32
        %dma_start3A_72 = tpu.memref_slice %arg2[%add3A_71] : memref<16777216xf32, #tpu.memory_space<hbm>> -> memref<16384xf32, #tpu.memory_space<hbm>>
        %dma_start3A_73 = tpu.memref_slice %arg2[%add3A_71] : memref<16777216xf32, #tpu.memory_space<hbm>> -> memref<16384xf32, #tpu.memory_space<hbm>>
        tpu.enqueue_dma source(%dma_start3A_73 : memref<16384xf32, #tpu.memory_space<hbm>>) target(%arg5 : memref<16384xf32, #tpu.memory_space<vmem>>) target_semaphore(%arg9 : memref<!tpu.dma_semaphore, #tpu.memory_space<semaphore_mem>>)
      } else {
      }
      %scan3A_66 = arith.constant 0 : i32
      scf.yield %scan3A_66 : i32
    }
    %scan3A_18 = arith.constant 16 : i32
    %parallel_loop3A_19 = arith.constant 0 : i32
    %parallel_loop3A_20 = arith.constant 512 : i32
    %parallel_loop3A_21 = arith.constant 1 : i32
    scf.for %parallel_loop3A_30 = %parallel_loop3A_19 to %parallel_loop3A_20 step %parallel_loop3A_21  : i32 {
      %parallel_loop3A_31 = arith.constant 16 : i32
      %parallel_loop3A_32 = arith.muli %parallel_loop3A_30, %parallel_loop3A_31 : i32
      %parallel_loop3A_33 = arith.constant 1 : i32
      %parallel_loop3A_34 = arith.addi %parallel_loop3A_32, %parallel_loop3A_33 : i32
      %parallel_loop3A_35 = vector.broadcast %parallel_loop3A_34 : i32 to vector<16xi32>
      %parallel_loop3A_36 = arith.addi %parallel_loop3A_35, %iota3A : vector<16xi32>
      %parallel_loop3A_37 = tpu.vector_load_idx %arg6[%parallel_loop3A_36] : memref<8208xf32, #tpu.memory_space<vmem>>[vector<16xi32>], vector<16xf32>,
      %parallel_loop3A_38 = arith.constant 16 : i32
      %parallel_loop3A_39 = arith.muli %parallel_loop3A_30, %parallel_loop3A_38 : i32
      %parallel_loop3A_40 = arith.index_cast %parallel_loop3A_39 : i32 to index
      %parallel_loop3A_41 = tpu.vector_load %arg7[%parallel_loop3A_40] {strides = array<i32>} : memref<8192xf32, #tpu.memory_space<vmem>>, vector<16xf32>,
      tpu.vector_store %arg7[%parallel_loop3A_40], %parallel_loop3A_37 {strides = array<i32>} : memref<8192xf32, #tpu.memory_space<vmem>>, vector<16xf32>,
    } {sc.loop_unroll_factor = 4 : i64, sc.parallel_access}
    %get3A = arith.constant 8176 : index
    %get3A_22 = tpu.vector_load %arg7[%get3A] {strides = array<i32>} : memref<8192xf32, #tpu.memory_space<vmem>>, vector<16xf32>,
    %broadcast_in_dim3A_23 = arith.constant 8193 : i32
    %broadcast_in_dim3A_24 = vector.broadcast %broadcast_in_dim3A_23 : i32 to vector<16xi32>
    %gather3A = tpu.vector_load_idx %arg6[%broadcast_in_dim3A_24] : memref<8208xf32, #tpu.memory_space<vmem>>[vector<16xi32>], vector<16xf32>,
    %eq3A = arith.constant 15 : i32
    %eq3A_25 = vector.broadcast %eq3A : i32 to vector<16xi32>
    %eq3A_26 = arith.cmpi eq, %iota3A, %eq3A_25 : vector<16xi32>
    %jit3A = arith.constant 0.000000e+00 : f32
    %broadcast_in_dim3A_27 = vector.broadcast %jit3A : f32 to vector<16xf32>
    %select_n3A = arith.select %eq3A_26, %gather3A, %broadcast_in_dim3A_27 : vector<16xi1>, vector<16xf32>
    %add3A_28 = arith.addf %get3A_22, %select_n3A : vector<16xf32>
    %swap3A = arith.constant 8176 : index
    %swap3A_29 = tpu.vector_load %arg7[%swap3A] {strides = array<i32>} : memref<8192xf32, #tpu.memory_space<vmem>>, vector<16xf32>,
    tpu.vector_store %arg7[%swap3A], %add3A_28 {strides = array<i32>} : memref<8192xf32, #tpu.memory_space<vmem>>, vector<16xf32>,
    "tpu.region"() ({
      %run_scoped3A = tpu.sem_alloc : memref<!tpu.dma_semaphore, #tpu.memory_space<semaphore_mem>>
      %dma_start3A_30 = arith.constant 0 : i32
      %dma_start3A_31 = tpu.memref_slice %arg3[%add3A, %dma_start3A_30] : memref<32x8192xf32, #tpu.memory_space<hbm>> -> memref<1x8192xf32, #tpu.memory_space<hbm>>
      %dma_start3A_32 = tpu.memref_squeeze %dma_start3A_31 : memref<1x8192xf32, #tpu.memory_space<hbm>> -> memref<8192xf32, #tpu.memory_space<hbm>>
      %dma_start3A_33 = arith.constant 0 : i32
      %dma_start3A_34 = tpu.memref_slice %arg3[%add3A, %dma_start3A_33] : memref<32x8192xf32, #tpu.memory_space<hbm>> -> memref<1x8192xf32, #tpu.memory_space<hbm>>
      %dma_start3A_35 = tpu.memref_squeeze %dma_start3A_34 : memref<1x8192xf32, #tpu.memory_space<hbm>> -> memref<8192xf32, #tpu.memory_space<hbm>>
      tpu.enqueue_dma source(%arg7 : memref<8192xf32, #tpu.memory_space<vmem>>) target(%dma_start3A_35 : memref<8192xf32, #tpu.memory_space<hbm>>) target_semaphore(%run_scoped3A : memref<!tpu.dma_semaphore, #tpu.memory_space<semaphore_mem>>)
      %dma_wait3A = arith.constant 0 : i32
      %dma_wait3A_36 = tpu.memref_slice %arg3[%add3A, %dma_wait3A] : memref<32x8192xf32, #tpu.memory_space<hbm>> -> memref<1x8192xf32, #tpu.memory_space<hbm>>
      %dma_wait3A_37 = tpu.memref_squeeze %dma_wait3A_36 : memref<1x8192xf32, #tpu.memory_space<hbm>> -> memref<8192xf32, #tpu.memory_space<hbm>>
      %dma_wait3A_38 = arith.constant 0 : i32
      %dma_wait3A_39 = tpu.memref_slice %arg3[%add3A, %dma_wait3A_38] : memref<32x8192xf32, #tpu.memory_space<hbm>> -> memref<1x8192xf32, #tpu.memory_space<hbm>>
      %dma_wait3A_40 = tpu.memref_squeeze %dma_wait3A_39 : memref<1x8192xf32, #tpu.memory_space<hbm>> -> memref<8192xf32, #tpu.memory_space<hbm>>
      tpu.wait_dma2 semaphore(%run_scoped3A : memref<!tpu.dma_semaphore, #tpu.memory_space<semaphore_mem>>) src(%arg7 : memref<8192xf32, #tpu.memory_space<vmem>>) dst(%dma_wait3A_40 : memref<8192xf32, #tpu.memory_space<hbm>>)
      tpu.yield
    }) : () -> ()
    return
  }
}

module attributes {stable_mosaic.version = 14 : i64} {
  func.func @_merge_body(%arg0: memref<32x64x128xf32, #tpu.memory_space<vmem>>, %arg1: memref<64x128xf32, #tpu.memory_space<vmem>>, %arg2: memref<64x128xf32, #tpu.memory_space<vmem>>) attributes {dimension_semantics = [], scalar_prefetch = 0 : i64, scratch_operands = 0 : i64, tpu.core_type = #tpu.core_type<tc>} {
    %get3A = arith.constant 0 : index
    %get3A_0 = arith.constant 0 : index
    %get3A_1 = arith.constant 0 : index
    %get3A_2 = vector.load %arg0[%get3A, %get3A_0, %get3A_1] : memref<32x64x128xf32, #tpu.memory_space<vmem>>, vector<32x64x128xf32>
    %reduce_sum3A = arith.constant dense<0.000000e+00> : vector<64x128xf32>
    %reduce_sum3A_3 = vector.multi_reduction <add>, %get3A_2, %reduce_sum3A [0] : vector<32x64x128xf32> to vector<64x128xf32>
    %get3A_4 = arith.constant 0 : index
    %get3A_5 = arith.constant 0 : index
    %get3A_6 = vector.load %arg1[%get3A_4, %get3A_5] : memref<64x128xf32, #tpu.memory_space<vmem>>, vector<64x128xf32>
    %add3A = arith.addf %reduce_sum3A_3, %get3A_6 : vector<64x128xf32>
    %swap3A = arith.constant 0 : index
    %swap3A_7 = arith.constant 0 : index
    %swap3A_8 = vector.load %arg2[%swap3A, %swap3A_7] : memref<64x128xf32, #tpu.memory_space<vmem>>, vector<64x128xf32>
    tpu.vector_store %arg2[%swap3A, %swap3A_7], %add3A {strides = array<i32>} : memref<64x128xf32, #tpu.memory_space<vmem>>, vector<64x128xf32>,
    return
  }
}

</mosaic_0001>

<sc_bundles>
// kernel: kernel.4.cloned.1.call-start
scs
__scs_entry_jumppad:
0x0: {  	(pc) =	sbr.rel $0x88, $3  }
0x1: {  	(tag) =	ssettag $0x0;
	lr =	simm.s32 $0x1  }
0x2: {  	[smem:$0x3F9F] =	sst lr;
	_ =	strace $0xD0000000  }
0x3: {  	_ = 	snop  }
0x4: {  	_ = 	snop  }
0x5: {  	_ = 	snop  }
0x6: {  	_ = 	snop  }
0x7: {  	_ = 	snop  }
__scs_overlays_trampoline_lowered:
0x8: {  	[smem:$0x3FAE] =	sst s0  }
0x9: {  	[smem:$0x3FAF] =	sst s1  }
0xa: {  	[smem:$0x3FB0] =	sst s2  }
0xb: {  	[smem:$0x3FB1] =	sst s3  }
0xc: {  	[smem:$0x3FB2] =	sst s4  }
0xd: {  	[smem:$0x3FB3] =	sst s5  }
0xe: {  	[smem:$0x3FB4] =	sst s6  }
0xf: {  	[smem:$0x3FB5] =	sst s7  }
0x10: {  	[smem:$0x3FB6] =	sst s8  }
0x11: {  	[smem:$0x3FB7] =	sst s9;
	s0 =	simm.s32 @!p0 $0x0  }
0x12: {  	s1 =	sld [smem:$0x3F9D];
	s0 =	simm.s32 @p0 $0x1  }
0x13: {  	[smem:$0x3FB8] =	sst s0;
	s0 =	simm.s32 @!p1 $0x0  }
0x14: {  	s2 =	sld [smem:$0x3F9C];
	s0 =	simm.s32 @p1 $0x1  }
0x15: {  	[smem:$0x3FB9] =	sst s0;
	s0 =	simm.s32 @!p2 $0x0  }
0x16: {  	s3 =	sld [smem:$0x3FDB];
	s0 =	simm.s32 @p2 $0x1  }
0x17: {  	s4 =	simm.s32 $0x1BF5;
	[smem:$0x3FBB] =	sst s0  }
0x18: {  	s0 =	sld [smem:$0x3F9E];
	_ =	swait.ge [sflag:s4], $0x0  }
0x19: {  	s7 =	sld [smem:$0x3F9F]  }
0x1a: {  	s8 =	sadd.s32 $0xFFFFE003, lr  }
0x1b: {  	s9 =	sadd.s32 $0xFFFFFEF7, lr;
	s5 =	simm.s32 $0xFFFFFFFF;
	p2 =	slt.u32 s8, $0xFFFFF086  }
0x1c: {  	p1 =	slt.u32 s9, $0xF7A;
	s5 =	simm.s32 @!p2 $0x0  }
0x1d: {  	s5 =	simm.s32 @p1 $0x1;
	p0 =	seq.s32 s7, s2  }
0x1e: {  	s7 =	smul.u32 @!p0 $0xF7A, s2;
	p2 =	seq.s32 @!p0 s5, $0x0  }
0x1f: {  	s9 =	smul.u32 $0xF7A, s1;
	s8 =	simm.s32 @!p0 $0x1BF5;
	p2 =	por !p2, p0  }
0x20: {  	[sflag:s8] =	ssyncset.s32 @!p0 $0xFFFFF086;
	s6 =	sadd.s32 @!p0 s3, s7;
	s7 =	simm.s32 @!p0 $0x108  }
0x21: {  	s3 =	sadd.s32 s3, s9;
	s6 =	sadd.s32 @!p0 $0x88, s6;
	s7 =	simm.s32 @p2 $0x1082  }
0x22: {  	[simem:s7], [sflag:s8] =	dma.local @!p0 [hbm:s6], $0xF7A  }
0x23: {  	s9 =	sor.u32 $0xD0000000, s2;
	s6 =	simm.s32 $0x108;
	_ =	swait.ge @!p0 [sflag:s8], $0x0  }
0x24: {  	s3 =	sadd.s32 $0x88, s3;
	s6 =	simm.s32 @!p1 $0x1082;
	[sflag:s4] =	ssyncset.s32 $0xFFFFF086  }
0x25: {  	[simem:s6], [sflag:s4] =	dma.local [hbm:s3], $0xF7A  }
0x26: {  	[smem:$0x3F9F] =	sst s1;
	(tag) =	ssettag s2;
	_ =	strace s9  }
0x27: {  	s1 =	sld [smem:$0x3FAF]  }
0x28: {  	s2 =	sld [smem:$0x3FB0]  }
0x29: {  	s4 =	sld [smem:$0x3FB2]  }
0x2a: {  	p0 =	seq.s32 s5, $0x0;
	s5 =	sld [smem:$0x3FB3]  }
0x2b: {  	s6 =	sld [smem:$0x3FB4]  }
0x2c: {  	s7 =	sld [smem:$0x3FB5]  }
0x2d: {  	s3 =	simm.s32 $0x108;
	s8 =	sld [smem:$0x3FB6]  }
0x2e: {  	s3 =	simm.s32 @!p0 $0x1082;
	s9 =	sld [smem:$0x3FB7]  }
0x2f: {  	lr =	sadd.s32 s0, s3;
	s0 =	sld [smem:$0x3FAE]  }
0x30: {  	s3 =	sld [smem:$0x3FB1]  }
0x31: {  	[smem:$0x3FBA] =	sst s10  }
0x32: {  	s10 =	sld [smem:$0x3FB8];
	_ =	sdelay $0x3  }
0x33: {  	p0 =	seq.s32 s10, $0x1;
	s10 =	sld [smem:$0x3FBA];
	_ =	sdelay $0x3  }
0x34: {  	[smem:$0x3FBA] =	sst s10  }
0x35: {  	s10 =	sld [smem:$0x3FB9];
	_ =	sdelay $0x3  }
0x36: {  	p1 =	seq.s32 s10, $0x1;
	s10 =	sld [smem:$0x3FBA];
	_ =	sdelay $0x3  }
0x37: {  	[smem:$0x3FBA] =	sst s10  }
0x38: {  	s10 =	sld [smem:$0x3FBB]  }
0x39: {  	_ = 	snop;
	(pc) =	sbr.ind lr, $3  }
0x3a: {  	_ = 	snop  }
0x3b: {  	_ = 	snop  }
0x3c: {  	p2 =	seq.s32 s10, $0x1;
	s10 =	sld [smem:$0x3FBA]  }
0x3d: {  	_ =	shalt  }
0x3e: {  	_ =	shalt  }
0x3f: {  	_ =	shalt  }
0x40: {  	_ =	shalt  }
0x41: {  	_ =	shalt  }
0x42: {  	_ =	shalt  }
0x43: {  	_ =	shalt  }
0x44: {  	_ =	shalt  }
0x45: {  	_ =	shalt  }
0x46: {  	_ =	shalt  }
0x47: {  	_ =	shalt  }
0x48: {  	_ =	shalt  }
0x49: {  	_ =	shalt  }
0x4a: {  	_ =	shalt  }
0x4b: {  	_ =	shalt  }
0x4c: {  	_ =	shalt  }
0x4d: {  	_ =	shalt  }
0x4e: {  	_ =	shalt  }
0x4f: {  	_ =	shalt  }
0x50: {  	_ =	shalt  }
0x51: {  	_ =	shalt  }
0x52: {  	_ =	shalt  }
0x53: {  	_ =	shalt  }
0x54: {  	_ =	shalt  }
0x55: {  	_ =	shalt  }
0x56: {  	_ =	shalt  }
0x57: {  	_ =	shalt  }
0x58: {  	_ =	shalt  }
0x59: {  	_ =	shalt  }
0x5a: {  	_ =	shalt  }
0x5b: {  	_ =	shalt  }
0x5c: {  	_ =	shalt  }
0x5d: {  	_ =	shalt  }
0x5e: {  	_ =	shalt  }
0x5f: {  	_ =	shalt  }
0x60: {  	_ =	shalt  }
0x61: {  	_ =	shalt  }
0x62: {  	_ =	shalt  }
0x63: {  	_ =	shalt  }
0x64: {  	_ =	shalt  }
0x65: {  	_ =	shalt  }
0x66: {  	_ =	shalt  }
0x67: {  	_ =	shalt  }
0x68: {  	_ =	shalt  }
0x69: {  	_ =	shalt  }
0x6a: {  	_ =	shalt  }
0x6b: {  	_ =	shalt  }
0x6c: {  	_ =	shalt  }
0x6d: {  	_ =	shalt  }
0x6e: {  	_ =	shalt  }
0x6f: {  	_ =	shalt  }
0x70: {  	_ =	shalt  }
0x71: {  	_ =	shalt  }
0x72: {  	_ =	shalt  }
0x73: {  	_ =	shalt  }
0x74: {  	_ =	shalt  }
0x75: {  	_ =	shalt  }
0x76: {  	_ =	shalt  }
0x77: {  	_ =	shalt  }
0x78: {  	_ =	shalt  }
0x79: {  	_ =	shalt  }
0x7a: {  	_ =	shalt  }
0x7b: {  	_ =	shalt  }
0x7c: {  	_ =	shalt  }
0x7d: {  	_ =	shalt  }
0x7e: {  	_ =	shalt  }
0x7f: {  	_ =	shalt  }
0x80: {  	_ =	shalt  }
0x81: {  	_ =	shalt  }
0x82: {  	_ =	shalt  }
0x83: {  	_ =	shalt  }
0x84: {  	_ =	shalt  }
0x85: {  	_ =	shalt  }
0x86: {  	_ =	shalt  }
0x87: {  	_ =	shalt  }
.Lfunc_end0:
.L_simem_size_0:
called_computation_lowered:
.L_overlay_start_0:
0x88: {  	s2 =	sld [smem:$0x3FD9]  }
0x89: {  	s3 =	sld [smem:$0x3FFE];
	_ =	sdelay $0x1  }
0x8a: {  	s1 =	srdreg.scid  }
0x8b: {  	s0 =	sand.u32 $0x1, s1  }
0x8c: {  	s15 =	sshll.u32 s0, $0xA;
	s2 =	sadd.s32 s3, s2  }
0x8d: {  	s2 =	sadd.s32 s2, s15  }
0x8e: {  	[smem:$0x3FC6] =	sst s2  }
0x8f: {  	_ = 	snop  }
0x90: {  	s2 =	sld [smem:$0x3FD0];
	_ =	sdelay $0x2  }
0x91: {  	s4 =	simm.s32 $0xA;
	s5 =	simm.s32 $0x10;
	s16 =	sld [smem:$0x3FC9]  }
0x92: {  	[smem:s5], [sflag:s4] =	dma.local [hbm:s2], $0x1  }
0x93: {  	_ =	swait.eq [sflag:s4], $0x1  }
0x94: {  	[sflag:s4] =	ssyncset.done $0x0  }
0x95: {  	[sflag:s4] =	ssyncadd.s32 $0xFFFFFFFF  }
0x96: {  	s17 =	sld [smem:$0x10];
	(tm) =	ssettm $0x1  }
0x97: {  	s18 =	sld [smem:$0x3FFB];
	_ =	sdelay $0x3  }
0x98: {  	_ =	strace s18  }
0x99: {  	s4 =	sld [smem:$0x3FFC];
	_ =	sdelay $0x3  }
0x9a: {  	_ =	strace s4  }
0x9b: {  	s4 =	sld [smem:$0x3FFD];
	_ =	sdelay $0x3  }
0x9c: {  	_ =	strace s4  }
0x9d: {  	_ =	strace $0x8FFFFFFF  }
0x9e: {  	s19 =	sld [smem:$0x3FDB];
	_ =	sdelay $0x1  }
0x9f: {  	s20 =	simm.s32 $_scs_section_size  }
0xa0: {  	s6 =	simm.s32 $_size__tile_overlayer_lowered;
	s7 =	simm.s32 $_tile_overlayer_lowered  }
0xa1: {  	s23 =	simm.s32 $0x1BFF;
	s22 =	sshll.u32 s7, $0x1;
	s4 =	sadd.s32 s20, s19  }
0xa2: {  	s8 =	simm.s32 $0x0;
	s21 =	sshll.u32 s6, $0x1;
	s6 =	sadd.s32 s22, s4  }
0xa3: {  	[timem:s8], [sflag:s23] =	dma.local [hbm:s6], s21  }
0xa4: {  	_ =	swait.ge [sflag:s23], s21  }
0xa5: {  	s5 =	ssub.s32 $0x0, s21;
	[sflag:s23] =	ssyncset.done $0x0  }
0xa6: {  	[sflag:s23] =	ssyncadd.s32 s5;
	_ =	sdelay $0x1  }
0xa7: {  	s24 =	simm.s32 $0x1B8B  }
0xa8: {  	_ =	swait.ge [sflag:s24], $0x1  }
0xa9: {  	[sflag:s24] =	ssyncset.done $0x0  }
0xaa: {  	s25 =	simm.s32 $0x1B8E;
	[sflag:s24] =	ssyncadd.s32 $0xFFFFFFFF  }
0xab: {  	s26 =	simm.s32 $execute0_lowered;
	[smem:$0x3FD2] =	sst s25  }
0xac: {  	s5 =	sshll.u32 s26, $0x1;
	_ =	strace $0x80000046;
	[dreg:$0x1] =	wrdreg $0xFFFFFFFF  }
0xad: {  	s28 =	simm.s32 $_size_execute0_lowered;
	s4 =	sadd.s32 s4, s5;
	[dreg:$0x0] =	wrdreg $0x0  }
0xae: {  	s5 =	sshll.u32 s28, $0x1;
	[dreg:$0x2] =	wrdreg s4  }
0xaf: {  	[dreg:$0x3] =	wrdreg s5  }
0xb0: {  	[dreg:$0x4] =	wrdreg $0xC0  }
0xb1: {  	_ =	task [dreg:s8], $0x5FFFF  }
0xb2: {  	[dreg:$0x1] =	wrdreg $0xFFFFFFFF  }
0xb3: {  	[dreg:$0x0] =	wrdreg $0x60  }
0xb4: {  	[dreg:$0x2] =	wrdreg s16  }
0xb5: {  	[dreg:$0x3] =	wrdreg s17  }
0xb6: {  	[dreg:$0x4] =	wrdreg $0x9  }
0xb7: {  	_ =	task.clear_ibuf [dreg:s8], $0x5FFFF;
	_ =	strace $0x90000046  }
0xb8: {  	s29 =	simm.s32 $0x9;
	_ =	strace $0x80000048  }
0xb9: {  	_ =	swait.ge [sflag:s29], $0x1  }
0xba: {  	[sflag:s29] =	ssyncadd.s32 $0xFFFFFFFF  }
0xbb: {  	_ =	strace $0x90000048  }
0xbc: {  	_ =	sfence  }
0xbd: {  	s30 =	sld [smem:$0x0];
	_ =	sdelay $0x2  }
0xbe: {  	s31 =	sshll.u32 s1, $0xD;
	s1 =	sshrl.u32 s1, $0x2  }
0xbf: {  	s3 =	sand.u32 $0x4000, s31;
	s1 =	sadd.s32 s1, s30  }
0xc0: {  	s0 =	sor.u32 s3, s0;
	s1 =	sshll.u32 s1, $0x11  }
0xc1: {  	s0 =	sor.u32 s1, s0  }
0xc2: {  	s0 =	sadd.s32 $0x8F2B, s0  }
0xc3: {  	[sflag:s0] =	ssyncadd.remote.s32 $0x1  }
0xc4: {  	_ =	sfence.sel $0xFFFF  }
0xc5: {  	[dreg:$0x0] =	wrdreg $0xFFFFFFFF;
	(pc) =	sbr.abs _section_cstart, $3  }
0xc6: {  	[dreg:$0x1] =	wrdreg $0xFFFFFFFF  }
0xc7: {  	_ =	task.clear_ibuf [dreg:s8], $0x2FFFF;
	_ =	strace $0x9FFFFFFF  }
0xc8: {  	(tm) =	ssettm $0x7FFFFFFF  }
0xc9: {  	_ =	shalt  }
tec
execute0_lowered:
.L_overlay_start_1:
0x0: {  	(tag) =	ssettag $0x1  }
0x1: {  	s2 =	rddreg [dreg:$0x0]  }
0x2: {  	s7 =	rddreg [dreg:$0x1];
	s3 =	srdreg.scid  }
0x3: {  	s0 =	rddreg [dreg:$0x2];
	s1 =	stileid.u32;
	s12 =	simm.s32 $0x8000  }
0x4: {  	s13 =	simm.s32 $0x2;
	s14 =	simm.s32 $0x80;
	s15 =	simm.s32 $0x400  }
0x5: {  	s16 =	simm.s32 $0xA080;
	s17 =	simm.s32 $0x3;
	s18 =	simm.s32 $0x0  }
0x6: {  	s4 =	sand.u32 $0x1, s3;
	s3 =	simm.s32 $0x0;
	s6 =	sshll.u32 s1, $0x1  }
0x7: {  	s10 =	sshll.u32 s1, $0xB;
	s5 =	ssub.s32 $0x2, s4;
	[smem:$0x7FF] =	sst s3  }
0x8: {  	s6 =	sor.u32 s4, s6;
	s10 =	sand.u32 $0x6000, s10;
	s8 =	sshrl.u32 s5, $0x1  }
0x9: {  	_ =	strace $0x80000047;
	s4 =	sshll.u32 s6, $0x10;
	s31 =	sshll.u32 s6, $0x13  }
0xa: {  	s11 =	sshll.u32 s6, $0x4;
	s10 =	sadd.s32 s7, s10;
	s9 =	ssub.s32 s5, s8  }
0xb: {  	s4 =	sadd.s32 s2, s4;
	s6 =	sor.u32 $0x8000, s31;
	s11 =	sand.u32 $0x70, s11  }
0xc: {  	v0 =	vimm.f32 $0.0e+00;
	v1 =	vimm.f32 $1.000000000e+00;
	s7 =	sor.u32 $0xC000, s31;
	s5 =	sadd.s32 $0x800, s4;
	s8 =	sadd.s32 s11, s10  }
0xd: {  	v2 =	vlaneseq.u32;
	v3 =	vimm.s32 $0x2001;
	vm0 =	vmmov $0x7fff;
	s9 =	smax.u32 s9, $0x1;
	s10 =	simm.s32 $0x4000;
	s11 =	simm.s32 $0x1  }
.LBB2_1:
0xe: {  	s19 =	simm.s32 $0x8040  }
0xf: {  	[tilespmem:s19+$0xFFFFFFC0] =	vst v0  }
0x10: {  	[tilespmem:s19+$0x30] =	vst v0  }
0x11: {  	[tilespmem:s19+$0x20] =	vst v0  }
0x12: {  	[tilespmem:s19+$0x10] =	vst v0  }
0x13: {  	[tilespmem:s19+$0x0] =	vst v0  }
0x14: {  	[tilespmem:s19+$0xFFFFFFF0] =	vst v0  }
0x15: {  	s20 =	simm.s32 $0x0;
	[tilespmem:s19+$0xFFFFFFE0] =	vst v0  }
.LBB2_2:
0x16: {  	s20 =	sadd.s32 $0x8, s20;
	[tilespmem:s19+$0xFFFFFFD0] =	vst v0;
	s19 =	sadd.s32 $0x80, s19  }
0x17: {  	[tilespmem:s19+$0xFFFFFFC0] =	vst v0;
	p0 =	slt.u32 s20, $0x1F8  }
0x18: {  	[tilespmem:s19+$0x30] =	vst v0  }
.Ltmp0:
0x19: {  	[tilespmem:s19+$0x20] =	vst v0;
	(pc) =	sbr.rel @p0 .LBB2_2-.Ltmp0, $4  }
0x1a: {  	[tilespmem:s19+$0x10] =	vst v0  }
0x1b: {  	[tilespmem:s19+$0x0] =	vst v0  }
0x1c: {  	[tilespmem:s19+$0xFFFFFFF0] =	vst v0  }
0x1d: {  	[tilespmem:s19+$0xFFFFFFE0] =	vst v0  }
0x1e: {  	[tilespmem:s19+$0xFFFFFFD0] =	vst v0  }
0x1f: {  	s19 =	simm.s32 $0x0;
	[tilespmem:$0xA000] =	vst v0  }
0x20: {  	[tilespmem:s19], [sflag:$0x1] =	stream.linear.gather [hbm4b:s4+s19], $0x4000, $0x38;
	[tilespmem:$0xC080] =	vst v63  }
0x21: {  	_ = 	snop  }
0x22: {  	[tilespmem:s10], [sflag:$0x2] =	stream.linear.gather [hbm4b:s5+s19], $0x4000, $0x38;
	[tilespmem:$0xC080] =	vst v63  }
.LBB2_4:
0x23: {  	_ =	swait.ge [sflag:s11], $0x4000  }
0x24: {  	[sflag:s11] =	ssyncset.done $0x0  }
0x25: {  	s20 =	simm.s32 $0x40;
	[sflag:s11] =	ssyncadd.s32 $0xFFFFC000  }
0x26: {  	v5 =	vld [tilespmem:s20+$0x30]  }
0x27: {  	v4 =	vld [tilespmem:s20+$0xFFFFFFD0]  }
0x28: {  	v6 =	vld [tilespmem:s20+$0xFFFFFFE0]  }
0x29: {  	v7 =	vld [tilespmem:s20+$0xFFFFFFF0]  }
0x2a: {  	v8 =	vld [tilespmem:s20+$0x0]  }
0x2b: {  	v9 =	vld [tilespmem:s20+$0x10]  }
0x2c: {  	v12 =	vld [tilespmem:s20+$0xFFFFFFC0];
	_ =	sdelay $0x2  }
0x2d: {  	v10 =	vmul.f32 $8.191999810e+01, v5;
	v11 =	vmul.f32 $8.191999810e+01, v4;
	vm1 =	vgt.f32 v4, $5.000000000e+01  }
0x2e: {  	v13 =	vmul.f32 $8.191999810e+01, v6;
	vm2 =	vgt.f32 v6, $5.000000000e+01;
	v59 =	vmul.f32 $8.191999810e+01, v8  }
0x2f: {  	v4 =	vld [tilespmem:s20+$0x20];
	vm3 =	vgt.f32 v7, $5.000000000e+01;
	v14 =	vmul.f32 $8.191999810e+01, v9;
	v16 =	vmul.f32 $8.191999810e+01, v12  }
0x30: {  	vm6 =	vgt.f32 v12, $5.000000000e+01;
	v6 =	vadd.f32 $4.097000000e+03, v10;
	v10 =	vadd.f32 $4.097000000e+03, v11  }
0x31: {  	v11 =	vmul.f32 $8.191999810e+01, v7;
	v7 =	vadd.f32 $4.097000000e+03, v13;
	v14 =	vadd.f32 $4.097000000e+03, v14  }
0x32: {  	vm5 =	vgt.f32 v9, $5.000000000e+01;
	v6 =	vtrunc.f32 v6;
	v10 =	vtrunc.f32 v10  }
0x33: {  	v13 =	vadd.f32 $4.097000000e+03, v59;
	v7 =	vtrunc.f32 v7;
	v61 =	vtrunc.f32 v14  }
0x34: {  	v16 =	vadd.f32 $4.097000000e+03, v16;
	v6 =	vcvt.f32.s32 v6;
	v15 =	vmul.f32 $8.191999810e+01, v4  }
0x35: {  	v11 =	vadd.f32 $4.097000000e+03, v11;
	v10 =	vcvt.f32.s32 v10;
	v63 =	vcvt.f32.s32 v7  }
0x36: {  	v7 =	vcvt.f32.s32 v61;
	vm4 =	vgt.s32 v6, $0x0;
	v15 =	vadd.f32 $4.097000000e+03, v15  }
0x37: {  	vm10 =	vgt.s32 v10, $0x0;
	vm11 =	vgt.s32 v63, $0x0;
	v6 =	vnsel vm4, $0x0, v6  }
0x38: {  	vm4 =	vgt.f32 v5, $5.000000000e+01;
	v5 =	vmin.u32 v6, $0x2002;
	v6 =	vtrunc.f32 v11  }
0x39: {  	v11 =	vtrunc.f32 v13;
	v60 =	vsel vm4, $0x2002, v5;
	v5 =	vtrunc.f32 v16  }
0x3a: {  	vm9 =	vgt.s32 v7, $0x0;
	v9 =	vcvt.f32.s32 v6;
	v6 =	vcvt.f32.s32 v11  }
0x3b: {  	vm4 =	vgt.f32 v8, $5.000000000e+01;
	v62 =	vcvt.f32.s32 v5;
	v5 =	vtrunc.f32 v15  }
0x3c: {  	v11 =	vnsel vm10, $0x0, v10;
	v10 =	vnsel vm11, $0x0, v63;
	v5 =	vcvt.f32.s32 v5  }
0x3d: {  	vm12 =	vgt.s32 v9, $0x0;
	vm8 =	vgt.s32 v6, $0x0;
	vm7 =	vgt.s32 v62, $0x0  }
0x3e: {  	s21 =	simm.s32 $0xC0;
	s20 =	simm.s32 $0x0;
	v9 =	vnsel vm12, $0x0, v9;
	v8 =	vnsel vm7, $0x0, v62;
	vm7 =	vgt.s32 v5, $0x0;
	[tilespmem:v60+s12+$0x0] =	vst.idx.add.f32.msk $0xffff, v1  }
.LBB2_5:
0x3f: {  	v12 =	vld [tilespmem:s21+$0x30];
	s20 =	sadd.s32 $0x8, s20;
	v6 =	vnsel vm8, $0x0, v6;
	v7 =	vnsel vm9, $0x0, v7;
	v5 =	vnsel vm7, $0x0, v5  }
0x40: {  	v8 =	vmin.u32 v8, $0x2002;
	v11 =	vmin.u32 v11, $0x2002;
	v10 =	vmin.u32 v10, $0x2002;
	v13 =	vld [tilespmem:s21+$0xFFFFFFD0];
	p0 =	slt.u32 s20, $0x3F8  }
0x41: {  	v9 =	vmin.u32 v9, $0x2002;
	v6 =	vmin.u32 v6, $0x2002;
	v7 =	vmin.u32 v7, $0x2002;
	v14 =	vld [tilespmem:s21+$0xFFFFFFE0]  }
0x42: {  	v8 =	vsel vm6, $0x2002, v8;
	vm6 =	vgt.f32 v4, $5.000000000e+01;
	v5 =	vmin.u32 v5, $0x2002;
	v15 =	vld [tilespmem:s21+$0xFFFFFFF0]  }
0x43: {  	v11 =	vsel vm1, $0x2002, v11;
	v10 =	vsel vm2, $0x2002, v10;
	v9 =	vsel vm3, $0x2002, v9;
	v16 =	vld [tilespmem:s21+$0x0]  }
0x44: {  	v6 =	vsel vm4, $0x2002, v6;
	v7 =	vsel vm5, $0x2002, v7;
	v17 =	vld [tilespmem:s21+$0x10];
	v18 =	vmul.f32 $8.191999810e+01, v12  }
0x45: {  	v5 =	vsel vm6, $0x2002, v5;
	v19 =	vmul.f32 $8.191999810e+01, v13;
	vm1 =	vgt.f32 v13, $5.000000000e+01;
	v4 =	vld [tilespmem:s21+$0x20]  }
0x46: {  	v13 =	vld [tilespmem:s21+$0xFFFFFFC0];
	v20 =	vmul.f32 $8.191999810e+01, v14;
	vm2 =	vgt.f32 v14, $5.000000000e+01;
	v14 =	vadd.f32 $4.097000000e+03, v18  }
0x47: {  	v18 =	vadd.f32 $4.097000000e+03, v19;
	v19 =	vmul.f32 $8.191999810e+01, v15;
	vm3 =	vgt.f32 v15, $5.000000000e+01;
	[tilespmem:v8+s12+$0x0] =	vst.idx.add.f32.msk $0xffff, v1  }
0x48: {  	v8 =	vadd.f32 $4.097000000e+03, v20;
	v15 =	vmul.f32 $8.191999810e+01, v16;
	v14 =	vtrunc.f32 v14;
	[tilespmem:v11+s12+$0x0] =	vst.idx.add.f32.msk $0xffff, v1  }
0x49: {  	v11 =	vadd.f32 $4.097000000e+03, v19;
	v19 =	vmul.f32 $8.191999810e+01, v17;
	v14 =	vcvt.f32.s32 v14;
	[tilespmem:v10+s12+$0x0] =	vst.idx.add.f32.msk $0xffff, v1  }
0x4a: {  	v10 =	vtrunc.f32 v18;
	v15 =	vadd.f32 $4.097000000e+03, v15;
	v18 =	vmul.f32 $8.191999810e+01, v4;
	[tilespmem:v9+s12+$0x0] =	vst.idx.add.f32.msk $0xffff, v1  }
0x4b: {  	v9 =	vmul.f32 $8.191999810e+01, v13;
	v19 =	vadd.f32 $4.097000000e+03, v19;
	vm4 =	vgt.s32 v14, $0x0;
	[tilespmem:v6+s12+$0x0] =	vst.idx.add.f32.msk $0xffff, v1  }
0x4c: {  	v6 =	vtrunc.f32 v8;
	v8 =	vadd.f32 $4.097000000e+03, v18;
	v14 =	vnsel vm4, $0x0, v14;
	[tilespmem:v7+s12+$0x0] =	vst.idx.add.f32.msk $0xffff, v1  }
0x4d: {  	vm4 =	vgt.f32 v12, $5.000000000e+01;
	v7 =	vadd.f32 $4.097000000e+03, v9;
	v9 =	vmin.u32 v14, $0x2002;
	[tilespmem:v5+s12+$0x0] =	vst.idx.add.f32.msk $0xffff, v1  }
0x4e: {  	v5 =	vtrunc.f32 v11;
	v11 =	vtrunc.f32 v15;
	v9 =	vsel vm4, $0x2002, v9  }
0x4f: {  	vm6 =	vgt.f32 v13, $5.000000000e+01;
	v12 =	vtrunc.f32 v19;
	v7 =	vtrunc.f32 v7  }
0x50: {  	vm4 =	vgt.f32 v16, $5.000000000e+01;
	v8 =	vtrunc.f32 v8;
	v13 =	vcvt.f32.s32 v7  }
0x51: {  	vm5 =	vgt.f32 v17, $5.000000000e+01;
	v10 =	vcvt.f32.s32 v10;
	v14 =	vcvt.f32.s32 v6  }
.Ltmp1:
0x52: {  	v15 =	vcvt.f32.s32 v5;
	v6 =	vcvt.f32.s32 v11;
	vm7 =	vgt.s32 v13, $0x0;
	(pc) =	sbr.rel @p0 .LBB2_5-.Ltmp1, $4  }
0x53: {  	vm10 =	vgt.s32 v10, $0x0;
	v5 =	vcvt.f32.s32 v8;
	v7 =	vcvt.f32.s32 v12;
	[tilespmem:v9+s12+$0x0] =	vst.idx.add.f32.msk $0xffff, v1  }
0x54: {  	vm11 =	vgt.s32 v14, $0x0;
	vm12 =	vgt.s32 v15, $0x0;
	vm8 =	vgt.s32 v6, $0x0  }
0x55: {  	vm9 =	vgt.s32 v7, $0x0;
	v8 =	vnsel vm7, $0x0, v13;
	vm7 =	vgt.s32 v5, $0x0  }
0x56: {  	s21 =	sadd.s32 $0x80, s21;
	v11 =	vnsel vm10, $0x0, v10;
	v10 =	vnsel vm11, $0x0, v14;
	v9 =	vnsel vm12, $0x0, v15  }
0x57: {  	v8 =	vmin.u32 v8, $0x2002  }
0x58: {  	v11 =	vmin.u32 v11, $0x2002;
	v8 =	vsel vm6, $0x2002, v8  }
0x59: {  	v10 =	vmin.u32 v10, $0x2002;
	v11 =	vsel vm1, $0x2002, v11  }
0x5a: {  	v6 =	vnsel vm8, $0x0, v6;
	v9 =	vmin.u32 v9, $0x2002;
	v10 =	vsel vm2, $0x2002, v10  }
0x5b: {  	v7 =	vnsel vm9, $0x0, v7;
	v6 =	vmin.u32 v6, $0x2002;
	v9 =	vsel vm3, $0x2002, v9  }
0x5c: {  	v5 =	vnsel vm7, $0x0, v5;
	v7 =	vmin.u32 v7, $0x2002;
	v6 =	vsel vm4, $0x2002, v6  }
0x5d: {  	vm1 =	vgt.f32 v4, $5.000000000e+01;
	v4 =	vmin.u32 v5, $0x2002;
	v5 =	vsel vm5, $0x2002, v7;
	[tilespmem:v8+s12+$0x0] =	vst.idx.add.f32.msk $0xffff, v1  }
0x5e: {  	v4 =	vsel vm1, $0x2002, v4;
	[tilespmem:v11+s12+$0x0] =	vst.idx.add.f32.msk $0xffff, v1  }
0x5f: {  	[tilespmem:v10+s12+$0x0] =	vst.idx.add.f32.msk $0xffff, v1  }
0x60: {  	s20 =	sshll.u32 s19, $0xF;
	p0 =	seq.s32 s19, $0xF;
	[tilespmem:v9+s12+$0x0] =	vst.idx.add.f32.msk $0xffff, v1  }
0x61: {  	s21 =	sadd.s32 @!p0 s20, s6;
	[tilespmem:v6+s12+$0x0] =	vst.idx.add.f32.msk $0xffff, v1  }
0x62: {  	s21 =	sshrl.u32 @!p0 s21, $0x3;
	[tilespmem:v5+s12+$0x0] =	vst.idx.add.f32.msk $0xffff, v1  }
0x63: {  	s22 =	simm.s32 @!p0 $0x0;
	s21 =	sadd.s32 @!p0 s2, s21;
	[tilespmem:v4+s12+$0x0] =	vst.idx.add.f32.msk $0xffff, v1  }
0x64: {  	[tilespmem:s22], [sflag:$0x1] =	stream.linear.gather @!p0 [hbm4b:s21+s22], $0x4000, $0x38;
	[tilespmem:$0xC080] =	vst v63  }
0x65: {  	_ =	swait.ge [sflag:s13], $0x4000  }
0x66: {  	[sflag:s13] =	ssyncset.done $0x0  }
0x67: {  	s31 =	simm.s32 $0x4040;
	[sflag:s13] =	ssyncadd.s32 $0xFFFFC000  }
0x68: {  	v5 =	vld [tilespmem:s31+$0x30]  }
0x69: {  	v4 =	vld [tilespmem:s31+$0xFFFFFFD0]  }
0x6a: {  	v6 =	vld [tilespmem:s31+$0xFFFFFFE0]  }
0x6b: {  	v7 =	vld [tilespmem:s31+$0xFFFFFFF0]  }
0x6c: {  	v8 =	vld [tilespmem:s31+$0x0]  }
0x6d: {  	v9 =	vld [tilespmem:s31+$0x10]  }
0x6e: {  	v12 =	vld [tilespmem:s31+$0xFFFFFFC0];
	_ =	sdelay $0x2  }
0x6f: {  	v10 =	vmul.f32 $8.191999810e+01, v5;
	v11 =	vmul.f32 $8.191999810e+01, v4;
	vm1 =	vgt.f32 v4, $5.000000000e+01  }
0x70: {  	v13 =	vmul.f32 $8.191999810e+01, v6;
	vm2 =	vgt.f32 v6, $5.000000000e+01;
	v59 =	vmul.f32 $8.191999810e+01, v8  }
0x71: {  	v4 =	vld [tilespmem:s31+$0x20];
	vm3 =	vgt.f32 v7, $5.000000000e+01;
	v14 =	vmul.f32 $8.191999810e+01, v9;
	v16 =	vmul.f32 $8.191999810e+01, v12  }
0x72: {  	vm6 =	vgt.f32 v12, $5.000000000e+01;
	v6 =	vadd.f32 $4.097000000e+03, v10;
	v10 =	vadd.f32 $4.097000000e+03, v11  }
0x73: {  	v11 =	vmul.f32 $8.191999810e+01, v7;
	v7 =	vadd.f32 $4.097000000e+03, v13;
	v14 =	vadd.f32 $4.097000000e+03, v14  }
0x74: {  	vm5 =	vgt.f32 v9, $5.000000000e+01;
	v6 =	vtrunc.f32 v6;
	v10 =	vtrunc.f32 v10  }
0x75: {  	v13 =	vadd.f32 $4.097000000e+03, v59;
	v7 =	vtrunc.f32 v7;
	v61 =	vtrunc.f32 v14  }
0x76: {  	v16 =	vadd.f32 $4.097000000e+03, v16;
	v6 =	vcvt.f32.s32 v6;
	v15 =	vmul.f32 $8.191999810e+01, v4  }
0x77: {  	v11 =	vadd.f32 $4.097000000e+03, v11;
	v10 =	vcvt.f32.s32 v10;
	v63 =	vcvt.f32.s32 v7  }
0x78: {  	v7 =	vcvt.f32.s32 v61;
	vm4 =	vgt.s32 v6, $0x0;
	v15 =	vadd.f32 $4.097000000e+03, v15  }
0x79: {  	vm10 =	vgt.s32 v10, $0x0;
	vm11 =	vgt.s32 v63, $0x0;
	v6 =	vnsel vm4, $0x0, v6  }
0x7a: {  	vm4 =	vgt.f32 v5, $5.000000000e+01;
	v5 =	vmin.u32 v6, $0x2002;
	v6 =	vtrunc.f32 v11  }
0x7b: {  	v11 =	vtrunc.f32 v13;
	v60 =	vsel vm4, $0x2002, v5;
	v5 =	vtrunc.f32 v16  }
0x7c: {  	vm9 =	vgt.s32 v7, $0x0;
	v9 =	vcvt.f32.s32 v6;
	v6 =	vcvt.f32.s32 v11  }
0x7d: {  	vm4 =	vgt.f32 v8, $5.000000000e+01;
	v62 =	vcvt.f32.s32 v5;
	v5 =	vtrunc.f32 v15  }
0x7e: {  	v11 =	vnsel vm10, $0x0, v10;
	v10 =	vnsel vm11, $0x0, v63;
	v5 =	vcvt.f32.s32 v5  }
0x7f: {  	vm12 =	vgt.s32 v9, $0x0;
	vm8 =	vgt.s32 v6, $0x0;
	vm7 =	vgt.s32 v62, $0x0  }
0x80: {  	s21 =	simm.s32 $0x0;
	s22 =	simm.s32 $0x40C0;
	v9 =	vnsel vm12, $0x0, v9;
	v8 =	vnsel vm7, $0x0, v62;
	vm7 =	vgt.s32 v5, $0x0;
	[tilespmem:v60+s12+$0x0] =	vst.idx.add.f32.msk $0xffff, v1  }
.LBB2_7:
0x81: {  	v12 =	vld [tilespmem:s22+$0x30];
	s21 =	sadd.s32 $0x8, s21;
	v6 =	vnsel vm8, $0x0, v6;
	v7 =	vnsel vm9, $0x0, v7;
	v5 =	vnsel vm7, $0x0, v5  }
0x82: {  	v8 =	vmin.u32 v8, $0x2002;
	v11 =	vmin.u32 v11, $0x2002;
	v10 =	vmin.u32 v10, $0x2002;
	v13 =	vld [tilespmem:s22+$0xFFFFFFD0];
	p1 =	slt.u32 s21, $0x3F8  }
0x83: {  	v9 =	vmin.u32 v9, $0x2002;
	v6 =	vmin.u32 v6, $0x2002;
	v7 =	vmin.u32 v7, $0x2002;
	v14 =	vld [tilespmem:s22+$0xFFFFFFE0]  }
0x84: {  	v8 =	vsel vm6, $0x2002, v8;
	vm6 =	vgt.f32 v4, $5.000000000e+01;
	v5 =	vmin.u32 v5, $0x2002;
	v15 =	vld [tilespmem:s22+$0xFFFFFFF0]  }
0x85: {  	v11 =	vsel vm1, $0x2002, v11;
	v10 =	vsel vm2, $0x2002, v10;
	v9 =	vsel vm3, $0x2002, v9;
	v16 =	vld [tilespmem:s22+$0x0]  }
0x86: {  	v6 =	vsel vm4, $0x2002, v6;
	v7 =	vsel vm5, $0x2002, v7;
	v17 =	vld [tilespmem:s22+$0x10];
	v18 =	vmul.f32 $8.191999810e+01, v12  }
0x87: {  	v5 =	vsel vm6, $0x2002, v5;
	v19 =	vmul.f32 $8.191999810e+01, v13;
	vm1 =	vgt.f32 v13, $5.000000000e+01;
	v4 =	vld [tilespmem:s22+$0x20]  }
0x88: {  	v13 =	vld [tilespmem:s22+$0xFFFFFFC0];
	v20 =	vmul.f32 $8.191999810e+01, v14;
	vm2 =	vgt.f32 v14, $5.000000000e+01;
	v14 =	vadd.f32 $4.097000000e+03, v18  }
0x89: {  	v18 =	vadd.f32 $4.097000000e+03, v19;
	v19 =	vmul.f32 $8.191999810e+01, v15;
	vm3 =	vgt.f32 v15, $5.000000000e+01;
	[tilespmem:v8+s12+$0x0] =	vst.idx.add.f32.msk $0xffff, v1  }
0x8a: {  	v8 =	vadd.f32 $4.097000000e+03, v20;
	v15 =	vmul.f32 $8.191999810e+01, v16;
	v14 =	vtrunc.f32 v14;
	[tilespmem:v11+s12+$0x0] =	vst.idx.add.f32.msk $0xffff, v1  }
0x8b: {  	v11 =	vadd.f32 $4.097000000e+03, v19;
	v19 =	vmul.f32 $8.191999810e+01, v17;
	v14 =	vcvt.f32.s32 v14;
	[tilespmem:v10+s12+$0x0] =	vst.idx.add.f32.msk $0xffff, v1  }
0x8c: {  	v10 =	vtrunc.f32 v18;
	v15 =	vadd.f32 $4.097000000e+03, v15;
	v18 =	vmul.f32 $8.191999810e+01, v4;
	[tilespmem:v9+s12+$0x0] =	vst.idx.add.f32.msk $0xffff, v1  }
0x8d: {  	v9 =	vmul.f32 $8.191999810e+01, v13;
	v19 =	vadd.f32 $4.097000000e+03, v19;
	vm4 =	vgt.s32 v14, $0x0;
	[tilespmem:v6+s12+$0x0] =	vst.idx.add.f32.msk $0xffff, v1  }
0x8e: {  	v6 =	vtrunc.f32 v8;
	v8 =	vadd.f32 $4.097000000e+03, v18;
	v14 =	vnsel vm4, $0x0, v14;
	[tilespmem:v7+s12+$0x0] =	vst.idx.add.f32.msk $0xffff, v1  }
0x8f: {  	vm4 =	vgt.f32 v12, $5.000000000e+01;
	v7 =	vadd.f32 $4.097000000e+03, v9;
	v9 =	vmin.u32 v14, $0x2002;
	[tilespmem:v5+s12+$0x0] =	vst.idx.add.f32.msk $0xffff, v1  }
0x90: {  	v5 =	vtrunc.f32 v11;
	v11 =	vtrunc.f32 v15;
	v9 =	vsel vm4, $0x2002, v9  }
0x91: {  	vm6 =	vgt.f32 v13, $5.000000000e+01;
	v12 =	vtrunc.f32 v19;
	v7 =	vtrunc.f32 v7  }
0x92: {  	vm4 =	vgt.f32 v16, $5.000000000e+01;
	v8 =	vtrunc.f32 v8;
	v13 =	vcvt.f32.s32 v7  }
0x93: {  	vm5 =	vgt.f32 v17, $5.000000000e+01;
	v10 =	vcvt.f32.s32 v10;
	v14 =	vcvt.f32.s32 v6  }
.Ltmp2:
0x94: {  	v15 =	vcvt.f32.s32 v5;
	v6 =	vcvt.f32.s32 v11;
	vm7 =	vgt.s32 v13, $0x0;
	(pc) =	sbr.rel @p1 .LBB2_7-.Ltmp2, $4  }
0x95: {  	vm10 =	vgt.s32 v10, $0x0;
	v5 =	vcvt.f32.s32 v8;
	v7 =	vcvt.f32.s32 v12;
	[tilespmem:v9+s12+$0x0] =	vst.idx.add.f32.msk $0xffff, v1  }
0x96: {  	vm11 =	vgt.s32 v14, $0x0;
	vm12 =	vgt.s32 v15, $0x0;
	vm8 =	vgt.s32 v6, $0x0  }
0x97: {  	vm9 =	vgt.s32 v7, $0x0;
	v8 =	vnsel vm7, $0x0, v13;
	vm7 =	vgt.s32 v5, $0x0  }
0x98: {  	s22 =	sadd.s32 $0x80, s22;
	v11 =	vnsel vm10, $0x0, v10;
	v10 =	vnsel vm11, $0x0, v14;
	v9 =	vnsel vm12, $0x0, v15  }
0x99: {  	v8 =	vmin.u32 v8, $0x2002  }
0x9a: {  	v11 =	vmin.u32 v11, $0x2002;
	v8 =	vsel vm6, $0x2002, v8  }
0x9b: {  	v10 =	vmin.u32 v10, $0x2002;
	v11 =	vsel vm1, $0x2002, v11  }
0x9c: {  	v6 =	vnsel vm8, $0x0, v6;
	v9 =	vmin.u32 v9, $0x2002;
	v10 =	vsel vm2, $0x2002, v10  }
0x9d: {  	v7 =	vnsel vm9, $0x0, v7;
	v6 =	vmin.u32 v6, $0x2002;
	v9 =	vsel vm3, $0x2002, v9  }
0x9e: {  	v5 =	vnsel vm7, $0x0, v5;
	v7 =	vmin.u32 v7, $0x2002;
	v6 =	vsel vm4, $0x2002, v6  }
0x9f: {  	vm1 =	vgt.f32 v4, $5.000000000e+01;
	v4 =	vmin.u32 v5, $0x2002;
	v5 =	vsel vm5, $0x2002, v7;
	[tilespmem:v8+s12+$0x0] =	vst.idx.add.f32.msk $0xffff, v1  }
0xa0: {  	v4 =	vsel vm1, $0x2002, v4;
	[tilespmem:v11+s12+$0x0] =	vst.idx.add.f32.msk $0xffff, v1  }
.Ltmp3:
0xa1: {  	[tilespmem:v10+s12+$0x0] =	vst.idx.add.f32.msk $0xffff, v1;
	(pc) =	sbr.rel @p0 .LBB2_9-.Ltmp3, $4  }
0xa2: {  	[tilespmem:v9+s12+$0x0] =	vst.idx.add.f32.msk $0xffff, v1  }
0xa3: {  	[tilespmem:v6+s12+$0x0] =	vst.idx.add.f32.msk $0xffff, v1  }
0xa4: {  	[tilespmem:v5+s12+$0x0] =	vst.idx.add.f32.msk $0xffff, v1  }
0xa5: {  	[tilespmem:v4+s12+$0x0] =	vst.idx.add.f32.msk $0xffff, v1  }
.Ltmp4:
0xa6: {  	(pc) =	sbr.rel .LBB2_4-.Ltmp4, $4  }
0xa7: {  	s20 =	sadd.s32 s20, s7  }
0xa8: {  	s20 =	sshrl.u32 s20, $0x3  }
0xa9: {  	s19 =	sadd.s32 $0x1, s19;
	s20 =	sadd.s32 s2, s20  }
0xaa: {  	[tilespmem:s10], [sflag:$0x2] =	stream.linear.gather [hbm4b:s20+s3], $0x4000, $0x38;
	[tilespmem:$0xC080] =	vst v63  }
.LBB2_9:
0xab: {  	s20 =	simm.s32 $0x31  }
0xac: {  	v4 =	vadd.s32 s20, v2  }
0xad: {  	s26 =	simm.s32 $0x21  }
0xae: {  	s21 =	simm.s32 $0x11;
	v5 =	vadd.s32 s26, v2  }
0xaf: {  	s28 =	simm.s32 $0x1;
	v6 =	vadd.s32 s21, v2  }
0xb0: {  	s29 =	simm.s32 $0x71;
	v8 =	vadd.s32 s28, v2  }
0xb1: {  	v12 =	vadd.s32 s29, v2;
	v11 =	vld.idx.msk [tilespmem:v4+s12+$0x0], $0xffff  }
0xb2: {  	s23 =	simm.s32 $0x61  }
0xb3: {  	s31 =	simm.s32 $0x51;
	v10 =	vadd.s32 s23, v2;
	v5 =	vld.idx.msk [tilespmem:v5+s12+$0x0], $0xffff  }
0xb4: {  	s30 =	simm.s32 $0x41;
	v9 =	vadd.s32 s31, v2;
	v4 =	vld.idx.msk [tilespmem:v6+s12+$0x0], $0xffff  }
0xb5: {  	s19 =	simm.s32 $0xA0A0;
	v7 =	vadd.s32 s30, v2;
	v6 =	vld.idx.msk [tilespmem:v8+s12+$0x0], $0xffff  }
0xb6: {  	s22 =	simm.s32 $0x8;
	s21 =	simm.s32 $0xB1;
	s20 =	simm.s32 $0xA0E0;
	v8 =	vld.idx.msk [tilespmem:v12+s12+$0x0], $0xffff;
	[tilespmem:s19+$0x10] =	vst v11  }
.LBB2_10:
0xb7: {  	s23 =	sadd.s32 $0xFFFFFFD0, s21;
	s22 =	sadd.s32 $0x4, s22  }
0xb8: {  	s24 =	sadd.s32 $0xFFFFFFE0, s21;
	s25 =	sadd.s32 $0xFFFFFFF0, s21;
	v11 =	vadd.s32 s21, v2;
	[tilespmem:s19+$0x0] =	vst v5;
	v5 =	vld.idx.msk [tilespmem:v10+s12+$0x0], $0xffff;
	p0 =	slt.u32 s22, $0x1FC  }
.Ltmp5:
0xb9: {  	v13 =	vmovc v4;
	v12 =	vadd.s32 s23, v2;
	v10 =	vadd.s32 s25, v2;
	v4 =	vld.idx.msk [tilespmem:v9+s12+$0x0], $0xffff;
	v9 =	vadd.s32 s24, v2;
	(pc) =	sbr.rel @p0 .LBB2_10-.Ltmp5, $3  }
0xba: {  	[tilespmem:s19+$0xFFFFFFE0] =	vst v6;
	v6 =	vld.idx.msk [tilespmem:v7+s12+$0x0], $0xffff;
	v7 =	vmov v12  }
0xbb: {  	[tilespmem:s19+$0xFFFFFFF0] =	vst v13;
	s19 =	smov.u32 s20;
	_ =	sdelay $0x1  }
0xbc: {  	s21 =	sadd.s32 $0x40, s21;
	s20 =	sadd.s32 $0x40, s20;
	[tilespmem:s19+$0x10] =	vst v8;
	v8 =	vld.idx.msk [tilespmem:v11+s12+$0x0], $0xffff  }
0xbd: {  	_ =	sdelay $0x1  }
0xbe: {  	s22 =	sadd.s32 $0xFFFFFFF0, s21;
	v11 =	vadd.s32 s21, v2  }
0xbf: {  	s23 =	sadd.s32 $0xFFFFFFD0, s21;
	v12 =	vadd.s32 s22, v2  }
0xc0: {  	s30 =	sadd.s32 $0xFFFFFFE0, s21;
	v10 =	vld.idx.msk [tilespmem:v10+s12+$0x0], $0xffff;
	v13 =	vadd.s32 s23, v2  }
0xc1: {  	[tilespmem:s19+$0x0] =	vst v5;
	v7 =	vld.idx.msk [tilespmem:v7+s12+$0x0], $0xffff;
	v5 =	vadd.s32 s30, v2  }
0xc2: {  	v9 =	vld.idx.msk [tilespmem:v9+s12+$0x0], $0xffff;
	[tilespmem:s19+$0xFFFFFFF0] =	vst v4  }
0xc3: {  	[tilespmem:s19+$0xFFFFFFE0] =	vst v6;
	v4 =	vld.idx.msk [tilespmem:v11+s12+$0x0], $0xffff  }
0xc4: {  	[tilespmem:s20+$0x10] =	vst v8;
	v62 =	vld.idx.msk [tilespmem:v12+s12+$0x0], $0xffff  }
0xc5: {  	[tilespmem:s20+$0x0] =	vst v10;
	v63 =	vld.idx.msk [tilespmem:v13+s12+$0x0], $0xffff  }
0xc6: {  	[tilespmem:s20+$0xFFFFFFE0] =	vst v7;
	v5 =	vld.idx.msk [tilespmem:v5+s12+$0x0], $0xffff  }
0xc7: {  	s31 =	sadd.s32 $0x40, s20;
	[tilespmem:s20+$0xFFFFFFF0] =	vst v9  }
0xc8: {  	[tilespmem:s31+$0x10] =	vst v4  }
0xc9: {  	[tilespmem:s31+$0x0] =	vst v62  }
0xca: {  	[tilespmem:s31+$0xFFFFFFE0] =	vst v63  }
0xcb: {  	[tilespmem:s31+$0xFFFFFFF0] =	vst v5  }
0xcc: {  	v4 =	vld.idx.msk [tilespmem:v3+s12+$0x0], $0xffff  }
0xcd: {  	v5 =	vld [tilespmem:$0xC070];
	_ =	sdelay $0x3  }
0xce: {  	v4 =	vsel vm0, $0x0, v4  }
0xcf: {  	s18 =	sadd.s32 $0x1, s18;
	v4 =	vadd.f32 v4, v5  }
0xd0: {  	p0 =	sne.s32 s18, s9  }
.Ltmp6:
0xd1: {  	[tilespmem:$0xC070] =	vst v4;
	(pc) =	sbr.rel @p0 .LBB2_1-.Ltmp6, $4  }
0xd2: {  	[hbm4b:s8+s14] =	stream.strided.scatter [tilespmem:s16], [sflag:$0x3], $0x2000, s15, s14, $0x38;
	[tilespmem:$0xC080] =	vst v63  }
0xd3: {  	_ =	swait.ge [sflag:s17], $0x2000  }
0xd4: {  	[sflag:s17] =	ssyncset.done $0x0  }
0xd5: {  	[sflag:s17] =	ssyncadd.s32 $0xFFFFE000  }
0xd6: {  	_ =	sfence.sel $0x180000  }
0xd7: {  	[bflag:$0x0] =	sbarrier.arrive $0xFFFF  }
0xd8: {  	p0 =	sne.s32 s1, $0x0;
	_ =	strace $0x90000047  }
0xd9: {  	s0 =	sadd.s32 @!p0 $0x100000, s0;
	[bflag:$0x2] =	sbarrier.arrive $0xFFFF  }
0xda: {  	[sflag:s0] =	ssyncadd.tile.s32 @!p0 $0x1;
	_ =	shalt  }
.Lfunc_end2:
_tile_overlayer_lowered:
.L_overlay_start_2:
0xdb: {  	(tag) =	ssettag $0x2  }
0xdc: {  	s0 =	rddreg [dreg:$0x0];
	s2 =	stileid.u32  }
0xdd: {  	s1 =	rddreg [dreg:$0x1];
	p0 =	sne.s32 s2, $0x0  }
0xde: {  	s3 =	rddreg [dreg:$0x2];
	[bflag:$0x3] =	sbarrier.arrive $0xFFFF;
	s2 =	simm.s32 @!p0 $0x1C03  }
0xdf: {  	[timem:s3], [sflag:s2] =	dma.local @!p0 [hbm:s0], s1  }
0xe0: {  	s0 =	simm.s32 @!p0 $0x3  }
0xe1: {  	_ =	swait.ge @!p0 [sflag:s0], s1  }
0xe2: {  	s1 =	ssub.s32 @!p0 $0x0, s1;
	[sflag:s0] =	ssyncset.done @!p0 $0x0  }
0xe3: {  	[sflag:s0] =	ssyncadd.s32 @!p0 s1  }
0xe4: {  	[bflag:$0x3] =	sbarrier.arrive $0xFFFF  }
0xe5: {  	_ =	shalt  }

</sc_bundles>
